<compile_context>
chip_gen: v7x
topology: tpu7x:2x2x1
jax: 0.10.2.dev20260603
libtpu: 0.0.44.dev20260713+nightly
codegen_flags: <defaults>
</compile_context>

<pallas_src>
import functools

import jax
import jax.numpy as jnp
from jax import lax
from jax.experimental import pallas as pl
from jax.experimental.pallas import tpu as pltpu
from jax.experimental.pallas import tpu_sc as plsc

N_NODES = 10000
N_EDGES = 320000
N_PAD = 10240
D_PAD = 128
IDX_W = 128
NC, NS = 2, 16
NW = NC * NS
N_ROWS = 2560
E_PAD = N_ROWS * IDX_W
RT = N_ROWS // NW
CH = 40
NODES_PER_TILE = N_PAD // NS
F_TILE = 2048
F_GRID = N_PAD // F_TILE


def _matmul_body(x_ref, w_ref, o_ref):
    o_ref[...] = jnp.dot(x_ref[...], w_ref[...],
                         preferred_element_type=jnp.float32)


def _tc_matmul(x, w):
    return pl.pallas_call(
        _matmul_body,
        out_shape=jax.ShapeDtypeStruct((N_PAD, D_PAD), jnp.float32),
    )(x, w)


def _sc_body(g_hbm, src_hbm, dst_hbm, ones_hbm, zero_hbm, out_hbm,
             acc_sh, idx_src, idx_dst, rows_v, ones_v, sem):
    c = lax.axis_index("c")
    s = lax.axis_index("s")
    wid = s * NC + c

    pltpu.sync_copy(zero_hbm.at[pl.ds(s * NODES_PER_TILE, NODES_PER_TILE)],
                    acc_sh.at[pl.ds(s * NODES_PER_TILE, NODES_PER_TILE)])
    pltpu.sync_copy(ones_hbm, ones_v)
    plsc.subcore_barrier()

    def body(j, carry):
        cp = pltpu.async_copy(g_hbm.at[idx_src.at[j]], rows_v, sem)
        pltpu.sync_copy(ones_v, acc_sh.at[idx_src.at[j]], add=True)
        cp.wait()
        pltpu.sync_copy(rows_v, acc_sh.at[idx_dst.at[j]], add=True)
        return carry

    for h in range(RT // CH):
        pltpu.sync_copy(src_hbm.at[pl.ds(wid * RT + h * CH, CH)], idx_src)
        pltpu.sync_copy(dst_hbm.at[pl.ds(wid * RT + h * CH, CH)], idx_dst)
        lax.fori_loop(0, CH, body, 0)
    plsc.subcore_barrier()

    pltpu.sync_copy(acc_sh.at[pl.ds(s * NODES_PER_TILE, NODES_PER_TILE)],
                    out_hbm.at[c, pl.ds(s * NODES_PER_TILE, NODES_PER_TILE)])


_sc_scatter = functools.partial(
    pl.kernel,
    out_type=jax.ShapeDtypeStruct((NC, N_PAD, D_PAD), jnp.float32),
    mesh=plsc.VectorSubcoreMesh(core_axis_name="c", subcore_axis_name="s"),
    scratch_types=[
        pltpu.VMEM_SHARED((N_PAD, D_PAD), jnp.float32),
        pltpu.VMEM((CH, IDX_W), jnp.int32),
        pltpu.VMEM((CH, IDX_W), jnp.int32),
        pltpu.VMEM((IDX_W, D_PAD), jnp.float32),
        pltpu.VMEM((IDX_W, D_PAD), jnp.float32),
        pltpu.SemaphoreType.DMA,
    ],
)(_sc_body)


def _finalize_body(slabs_ref, w2_ref, wfc_ref, o_ref, s_acc):
    i = pl.program_id(0)

    @pl.when(i == 0)
    def _init():
        s_acc[...] = jnp.zeros_like(s_acc)

    t = jnp.maximum(slabs_ref[0] + slabs_ref[1], 0.0)
    s_acc[...] += jnp.sum(t * t[:, 10:11], axis=0, keepdims=True)

    @pl.when(i == F_GRID - 1)
    def _done():
        z = jnp.dot(jnp.dot(s_acc[...] * (1.0 / N_NODES), w2_ref[...],
                            preferred_element_type=jnp.float32),
                    wfc_ref[...], preferred_element_type=jnp.float32)
        o_ref[...] = 1.0 / (1.0 + jnp.exp(-z))


def _tc_finalize(slabs, w2p, wfcp):
    return pl.pallas_call(
        _finalize_body,
        grid=(F_GRID,),
        in_specs=[
            pl.BlockSpec((NC, F_TILE, D_PAD), lambda i: (0, i, 0)),
            pl.BlockSpec((D_PAD, D_PAD), lambda i: (0, 0)),
            pl.BlockSpec((D_PAD, 1), lambda i: (0, 0)),
        ],
        out_specs=pl.BlockSpec((1, 1), lambda i: (0, 0)),
        out_shape=jax.ShapeDtypeStruct((1, 1), jnp.float32),
        scratch_shapes=[pltpu.VMEM((1, D_PAD), jnp.float32)],
    )(slabs, w2p, wfcp)


def kernel(features, edge_index, W1, W2, Wfc):
    pad_e = E_PAD - N_EDGES
    pad_idx = N_NODES + (jnp.arange(pad_e, dtype=jnp.int32)
                         % (N_PAD - N_NODES))
    src = jnp.concatenate([edge_index[0], pad_idx]).reshape(N_ROWS, IDX_W)
    dst = jnp.concatenate([edge_index[1], pad_idx]).reshape(N_ROWS, IDX_W)
    xp = jnp.pad(features, ((0, N_PAD - N_NODES), (0, 0)))
    w1p = jnp.pad(W1, ((0, 0), (0, D_PAD - W1.shape[1])))
    w2p = jnp.zeros((D_PAD, D_PAD), jnp.float32).at[:10, :10].set(W2)
    wfcp = jnp.zeros((D_PAD, 1), jnp.float32).at[:10].set(Wfc)
    ones_rows = jnp.zeros((IDX_W, D_PAD), jnp.float32).at[:, 10].set(1.0)
    zero_init = jnp.zeros((N_PAD, D_PAD), jnp.float32)

    g = _tc_matmul(xp, w1p)
    slabs = _sc_scatter(g, src, dst, ones_rows, zero_init)
    return _tc_finalize(slabs, w2p, wfcp)

# --- scband reference (transcript-rebuilt; emitter-appended) ---
"""Pipeline reference for scband-net-gcn-9234179686414 (READ-ONLY COPY).

The authoritative reference and input builder live on the scoring server;
editing this copy changes nothing except your own understanding.
"""

import jax, jax.numpy as jnp
import numpy as np

N_NODES = 10000
N_EDGES = 320000
D_FEAT = 128
DIM = 10

def setup_inputs(seed: int = 0) -> dict:
    key = jax.random.key(seed)
    k1, k2, k3, k4, k5 = jax.random.split(key, 5)
    features = jax.random.normal(k1, (N_NODES, D_FEAT), dtype=jnp.float32)
    edge_index = jax.random.randint(k2, (2, N_EDGES), 0, N_NODES, dtype=jnp.int32)
    # GraphConv weights (bias=False): conv1 (128->10), conv2 (10->10), fc1 (10->1)
    W1 = jax.random.normal(k3, (D_FEAT, DIM), dtype=jnp.float32) * (1.0 / np.sqrt(D_FEAT))
    W2 = jax.random.normal(k4, (DIM, DIM), dtype=jnp.float32) * (1.0 / np.sqrt(DIM))
    Wfc = jax.random.normal(k5, (DIM, 1), dtype=jnp.float32) * (1.0 / np.sqrt(DIM))
    return {"features": features, "edge_index": edge_index, "W1": W1, "W2": W2, "Wfc": Wfc}

def reference(features, edge_index, W1, W2, Wfc):
    # DGL GraphConv semantics with norm='none', bias=False:
    #   message = copy src feature; reduce = sum at dst; no degree normalization.
    #   If in_feats > out_feats, apply weight BEFORE aggregation, else AFTER.
    src = edge_index[0]
    dst = edge_index[1]
    n = features.shape[0]
    # conv1: 128 > 10 -> weight first, then aggregate
    h = features @ W1
    h = jax.ops.segment_sum(h[src], dst, num_segments=n)
    h = jax.nn.relu(h)
    # conv2: 10 == 10 (not greater) -> aggregate first, then weight
    h2 = jax.ops.segment_sum(h[src], dst, num_segments=n)
    h2 = h2 @ W2
    # dgl.mean_nodes over a single graph -> mean over all nodes, shape [1, dim]
    hm = jnp.mean(h2, axis=0, keepdims=True)
    out = hm @ Wfc
    return jax.nn.sigmoid(out)

if __name__ == "__main__":
    import jax
    _d = setup_inputs()
    print(jax.jit(kernel)(*tuple(_d.values())))

</pallas_src>

<mosaic_0001>
#map = affine_map<(d0, d1) -> (0, 0)>
#map1 = affine_map<(d0, d1) -> (0, 0, 0)>
module attributes {stable_mosaic.version = 14 : i64} {
  func.func @_sc_body(%arg0: i32, %arg1: i32, %arg2: memref<10240x128xf32, #tpu.memory_space<hbm>>, %arg3: memref<2560x128xi32, #tpu.memory_space<hbm>>, %arg4: memref<2560x128xi32, #tpu.memory_space<hbm>>, %arg5: memref<128x128xf32, #tpu.memory_space<hbm>>, %arg6: memref<10240x128xf32, #tpu.memory_space<hbm>>, %arg7: memref<2x10240x128xf32, #tpu.memory_space<hbm>>, %arg8: memref<10240x128xf32, #tpu.memory_space<vmem_shared>>, %arg9: memref<40x128xi32, #tpu.memory_space<vmem>>, %arg10: memref<40x128xi32, #tpu.memory_space<vmem>>, %arg11: memref<128x128xf32, #tpu.memory_space<vmem>>, %arg12: memref<128x128xf32, #tpu.memory_space<vmem>>, %arg13: memref<!tpu.dma_semaphore, #tpu.memory_space<semaphore_mem>>) attributes {dimension_semantics = [#tpu.dimension_semantics<core_parallel>, #tpu.dimension_semantics<subcore_parallel>], iteration_bounds = array<i64: 2, 16>, scalar_prefetch = 0 : i64, scratch_operands = 6 : i64, tpu.core_type = #tpu.core_type<sc_vector_subcore>, window_params = [{transform_indices = #map}, {transform_indices = #map}, {transform_indices = #map}, {transform_indices = #map}, {transform_indices = #map}, {transform_indices = #map1}]} {
    %mul3A = arith.constant 2 : i32
    %mul3A_0 = arith.muli %arg1, %mul3A : i32
    %add3A = arith.addi %mul3A_0, %arg0 : i32
    %mul3A_1 = arith.constant 640 : i32
    %mul3A_2 = arith.muli %arg1, %mul3A_1 : i32
    %mul3A_3 = arith.constant 640 : i32
    %mul3A_4 = arith.muli %arg1, %mul3A_3 : i32
    "tpu.region"() ({
      %run_scoped3A = tpu.sem_alloc : memref<!tpu.dma_semaphore, #tpu.memory_space<semaphore_mem>>
      %dma_start3A = arith.constant 0 : i32
      %dma_start3A_37 = tpu.memref_slice %arg8[%mul3A_4, %dma_start3A] : memref<10240x128xf32, #tpu.memory_space<vmem_shared>> -> memref<640x128xf32, #tpu.memory_space<vmem_shared>>
      %dma_start3A_38 = arith.constant 0 : i32
      %dma_start3A_39 = tpu.memref_slice %arg6[%mul3A_2, %dma_start3A_38] : memref<10240x128xf32, #tpu.memory_space<hbm>> -> memref<640x128xf32, #tpu.memory_space<hbm>>
      tpu.enqueue_dma source(%dma_start3A_39 : memref<640x128xf32, #tpu.memory_space<hbm>>) target(%dma_start3A_37 : memref<640x128xf32, #tpu.memory_space<vmem_shared>>) target_semaphore(%run_scoped3A : memref<!tpu.dma_semaphore, #tpu.memory_space<semaphore_mem>>)
      %dma_wait3A = arith.constant 0 : i32
      %dma_wait3A_40 = tpu.memref_slice %arg8[%mul3A_4, %dma_wait3A] : memref<10240x128xf32, #tpu.memory_space<vmem_shared>> -> memref<640x128xf32, #tpu.memory_space<vmem_shared>>
      %dma_wait3A_41 = arith.constant 0 : i32
      %dma_wait3A_42 = tpu.memref_slice %arg6[%mul3A_2, %dma_wait3A_41] : memref<10240x128xf32, #tpu.memory_space<hbm>> -> memref<640x128xf32, #tpu.memory_space<hbm>>
      tpu.wait_dma2 semaphore(%run_scoped3A : memref<!tpu.dma_semaphore, #tpu.memory_space<semaphore_mem>>) src(%dma_wait3A_42 : memref<640x128xf32, #tpu.memory_space<hbm>>) dst(%dma_wait3A_40 : memref<640x128xf32, #tpu.memory_space<vmem_shared>>)
      tpu.yield
    }) : () -> ()
    "tpu.region"() ({
      %run_scoped3A = tpu.sem_alloc : memref<!tpu.dma_semaphore, #tpu.memory_space<semaphore_mem>>
      tpu.enqueue_dma source(%arg5 : memref<128x128xf32, #tpu.memory_space<hbm>>) target(%arg12 : memref<128x128xf32, #tpu.memory_space<vmem>>) target_semaphore(%run_scoped3A : memref<!tpu.dma_semaphore, #tpu.memory_space<semaphore_mem>>)
      tpu.wait_dma2 semaphore(%run_scoped3A : memref<!tpu.dma_semaphore, #tpu.memory_space<semaphore_mem>>) src(%arg5 : memref<128x128xf32, #tpu.memory_space<hbm>>) dst(%arg12 : memref<128x128xf32, #tpu.memory_space<vmem>>)
      tpu.yield
    }) : () -> ()
    %barrier3A = arith.constant 0 : index
    tpu.barrier barrier_id(%barrier3A)
    %mul3A_5 = arith.constant 80 : i32
    %mul3A_6 = arith.muli %add3A, %mul3A_5 : i32
    %add3A_7 = arith.constant 0 : i32
    %add3A_8 = arith.addi %mul3A_6, %add3A_7 : i32
    "tpu.region"() ({
      %run_scoped3A = tpu.sem_alloc : memref<!tpu.dma_semaphore, #tpu.memory_space<semaphore_mem>>
      %dma_start3A = arith.constant 0 : i32
      %dma_start3A_37 = tpu.memref_slice %arg3[%add3A_8, %dma_start3A] : memref<2560x128xi32, #tpu.memory_space<hbm>> -> memref<40x128xi32, #tpu.memory_space<hbm>>
      %dma_start3A_38 = arith.constant 0 : i32
      %dma_start3A_39 = tpu.memref_slice %arg3[%add3A_8, %dma_start3A_38] : memref<2560x128xi32, #tpu.memory_space<hbm>> -> memref<40x128xi32, #tpu.memory_space<hbm>>
      tpu.enqueue_dma source(%dma_start3A_39 : memref<40x128xi32, #tpu.memory_space<hbm>>) target(%arg9 : memref<40x128xi32, #tpu.memory_space<vmem>>) target_semaphore(%run_scoped3A : memref<!tpu.dma_semaphore, #tpu.memory_space<semaphore_mem>>)
      %dma_wait3A = arith.constant 0 : i32
      %dma_wait3A_40 = tpu.memref_slice %arg3[%add3A_8, %dma_wait3A] : memref<2560x128xi32, #tpu.memory_space<hbm>> -> memref<40x128xi32, #tpu.memory_space<hbm>>
      %dma_wait3A_41 = arith.constant 0 : i32
      %dma_wait3A_42 = tpu.memref_slice %arg3[%add3A_8, %dma_wait3A_41] : memref<2560x128xi32, #tpu.memory_space<hbm>> -> memref<40x128xi32, #tpu.memory_space<hbm>>
      tpu.wait_dma2 semaphore(%run_scoped3A : memref<!tpu.dma_semaphore, #tpu.memory_space<semaphore_mem>>) src(%dma_wait3A_42 : memref<40x128xi32, #tpu.memory_space<hbm>>) dst(%arg9 : memref<40x128xi32, #tpu.memory_space<vmem>>)
      tpu.yield
    }) : () -> ()
    %mul3A_9 = arith.constant 80 : i32
    %mul3A_10 = arith.muli %add3A, %mul3A_9 : i32
    %add3A_11 = arith.constant 0 : i32
    %add3A_12 = arith.addi %mul3A_10, %add3A_11 : i32
    "tpu.region"() ({
      %run_scoped3A = tpu.sem_alloc : memref<!tpu.dma_semaphore, #tpu.memory_space<semaphore_mem>>
      %dma_start3A = arith.constant 0 : i32
      %dma_start3A_37 = tpu.memref_slice %arg4[%add3A_12, %dma_start3A] : memref<2560x128xi32, #tpu.memory_space<hbm>> -> memref<40x128xi32, #tpu.memory_space<hbm>>
      %dma_start3A_38 = arith.constant 0 : i32
      %dma_start3A_39 = tpu.memref_slice %arg4[%add3A_12, %dma_start3A_38] : memref<2560x128xi32, #tpu.memory_space<hbm>> -> memref<40x128xi32, #tpu.memory_space<hbm>>
      tpu.enqueue_dma source(%dma_start3A_39 : memref<40x128xi32, #tpu.memory_space<hbm>>) target(%arg10 : memref<40x128xi32, #tpu.memory_space<vmem>>) target_semaphore(%run_scoped3A : memref<!tpu.dma_semaphore, #tpu.memory_space<semaphore_mem>>)
      %dma_wait3A = arith.constant 0 : i32
      %dma_wait3A_40 = tpu.memref_slice %arg4[%add3A_12, %dma_wait3A] : memref<2560x128xi32, #tpu.memory_space<hbm>> -> memref<40x128xi32, #tpu.memory_space<hbm>>
      %dma_wait3A_41 = arith.constant 0 : i32
      %dma_wait3A_42 = tpu.memref_slice %arg4[%add3A_12, %dma_wait3A_41] : memref<2560x128xi32, #tpu.memory_space<hbm>> -> memref<40x128xi32, #tpu.memory_space<hbm>>
      tpu.wait_dma2 semaphore(%run_scoped3A : memref<!tpu.dma_semaphore, #tpu.memory_space<semaphore_mem>>) src(%dma_wait3A_42 : memref<40x128xi32, #tpu.memory_space<hbm>>) dst(%arg10 : memref<40x128xi32, #tpu.memory_space<vmem>>)
      tpu.yield
    }) : () -> ()
    %scan3A = arith.constant 0 : i32
    %scan3A_13 = arith.constant 0 : i32
    %scan3A_14 = arith.constant 40 : i32
    %scan3A_15 = arith.addi %scan3A_13, %scan3A_14 : i32
    %scan3A_16 = arith.constant 1 : i32
    scf.for %scan3A_37 = %scan3A_13 to %scan3A_15 step %scan3A_16  : i32 {
      %dma_start3A = arith.constant 0 : i32
      %dma_start3A_38 = tpu.memref_slice %arg9[%scan3A_37, %dma_start3A] : memref<40x128xi32, #tpu.memory_space<vmem>> -> memref<1x128xi32, #tpu.memory_space<vmem>>
      %dma_start3A_39 = tpu.memref_squeeze %dma_start3A_38 : memref<1x128xi32, #tpu.memory_space<vmem>> -> memref<128xi32, #tpu.memory_space<vmem>>
      %dma_start3A_40 = arith.constant 0 : i32
      %dma_start3A_41 = arith.constant 0 : i32
      %dma_start3A_42 = tpu.memref_slice %arg2[%dma_start3A_40, %dma_start3A_41] : memref<10240x128xf32, #tpu.memory_space<hbm>> -> memref<10240x128xf32, #tpu.memory_space<hbm>>
      tpu.enqueue_indirect_dma source(%dma_start3A_42 : memref<10240x128xf32, #tpu.memory_space<hbm>>) target(%arg11 : memref<128x128xf32, #tpu.memory_space<vmem>>) offsets(%dma_start3A_39 : memref<128xi32, #tpu.memory_space<vmem>>) semaphore(%arg13 : memref<!tpu.dma_semaphore, #tpu.memory_space<semaphore_mem>>)
      "tpu.region"() ({
        %run_scoped3A = tpu.sem_alloc : memref<!tpu.dma_semaphore, #tpu.memory_space<semaphore_mem>>
        %dma_start3A_48 = arith.constant 0 : i32
        %dma_start3A_49 = tpu.memref_slice %arg9[%scan3A_37, %dma_start3A_48] : memref<40x128xi32, #tpu.memory_space<vmem>> -> memref<1x128xi32, #tpu.memory_space<vmem>>
        %dma_start3A_50 = tpu.memref_squeeze %dma_start3A_49 : memref<1x128xi32, #tpu.memory_space<vmem>> -> memref<128xi32, #tpu.memory_space<vmem>>
        %dma_start3A_51 = arith.constant 0 : i32
        %dma_start3A_52 = arith.constant 0 : i32
        %dma_start3A_53 = tpu.memref_slice %arg8[%dma_start3A_51, %dma_start3A_52] : memref<10240x128xf32, #tpu.memory_space<vmem_shared>> -> memref<10240x128xf32, #tpu.memory_space<vmem_shared>>
        tpu.enqueue_indirect_dma source(%arg12 : memref<128x128xf32, #tpu.memory_space<vmem>>) target(%dma_start3A_53 : memref<10240x128xf32, #tpu.memory_space<vmem_shared>>) offsets(%dma_start3A_50 : memref<128xi32, #tpu.memory_space<vmem>>) semaphore(%run_scoped3A : memref<!tpu.dma_semaphore, #tpu.memory_space<semaphore_mem>>) {add = true}
        %dma_wait3A_54 = arith.constant 0 : i32
        %dma_wait3A_55 = tpu.memref_slice %arg9[%scan3A_37, %dma_wait3A_54] : memref<40x128xi32, #tpu.memory_space<vmem>> -> memref<1x128xi32, #tpu.memory_space<vmem>>
        %dma_wait3A_56 = tpu.memref_squeeze %dma_wait3A_55 : memref<1x128xi32, #tpu.memory_space<vmem>> -> memref<128xi32, #tpu.memory_space<vmem>>
        %dma_wait3A_57 = arith.constant 0 : i32
        %dma_wait3A_58 = arith.constant 0 : i32
        %dma_wait3A_59 = tpu.memref_slice %arg8[%dma_wait3A_57, %dma_wait3A_58] : memref<10240x128xf32, #tpu.memory_space<vmem_shared>> -> memref<10240x128xf32, #tpu.memory_space<vmem_shared>>
        tpu.wait_indirect_dma semaphore(%run_scoped3A : memref<!tpu.dma_semaphore, #tpu.memory_space<semaphore_mem>>) src(%arg12 : memref<128x128xf32, #tpu.memory_space<vmem>>) dst(%dma_wait3A_59 : memref<10240x128xf32, #tpu.memory_space<vmem_shared>>)
        tpu.yield
      }) : () -> ()
      %dma_wait3A = arith.constant 0 : i32
      %dma_wait3A_43 = tpu.memref_slice %arg9[%scan3A_37, %dma_wait3A] : memref<40x128xi32, #tpu.memory_space<vmem>> -> memref<1x128xi32, #tpu.memory_space<vmem>>
      %dma_wait3A_44 = tpu.memref_squeeze %dma_wait3A_43 : memref<1x128xi32, #tpu.memory_space<vmem>> -> memref<128xi32, #tpu.memory_space<vmem>>
      %dma_wait3A_45 = arith.constant 0 : i32
      %dma_wait3A_46 = arith.constant 0 : i32
      %dma_wait3A_47 = tpu.memref_slice %arg2[%dma_wait3A_45, %dma_wait3A_46] : memref<10240x128xf32, #tpu.memory_space<hbm>> -> memref<10240x128xf32, #tpu.memory_space<hbm>>
      tpu.wait_indirect_dma semaphore(%arg13 : memref<!tpu.dma_semaphore, #tpu.memory_space<semaphore_mem>>) src(%dma_wait3A_47 : memref<10240x128xf32, #tpu.memory_space<hbm>>) dst(%arg11 : memref<128x128xf32, #tpu.memory_space<vmem>>)
      "tpu.region"() ({
        %run_scoped3A = tpu.sem_alloc : memref<!tpu.dma_semaphore, #tpu.memory_space<semaphore_mem>>
        %dma_start3A_48 = arith.constant 0 : i32
        %dma_start3A_49 = tpu.memref_slice %arg10[%scan3A_37, %dma_start3A_48] : memref<40x128xi32, #tpu.memory_space<vmem>> -> memref<1x128xi32, #tpu.memory_space<vmem>>
        %dma_start3A_50 = tpu.memref_squeeze %dma_start3A_49 : memref<1x128xi32, #tpu.memory_space<vmem>> -> memref<128xi32, #tpu.memory_space<vmem>>
        %dma_start3A_51 = arith.constant 0 : i32
        %dma_start3A_52 = arith.constant 0 : i32
        %dma_start3A_53 = tpu.memref_slice %arg8[%dma_start3A_51, %dma_start3A_52] : memref<10240x128xf32, #tpu.memory_space<vmem_shared>> -> memref<10240x128xf32, #tpu.memory_space<vmem_shared>>
        tpu.enqueue_indirect_dma source(%arg11 : memref<128x128xf32, #tpu.memory_space<vmem>>) target(%dma_start3A_53 : memref<10240x128xf32, #tpu.memory_space<vmem_shared>>) offsets(%dma_start3A_50 : memref<128xi32, #tpu.memory_space<vmem>>) semaphore(%run_scoped3A : memref<!tpu.dma_semaphore, #tpu.memory_space<semaphore_mem>>) {add = true}
        %dma_wait3A_54 = arith.constant 0 : i32
        %dma_wait3A_55 = tpu.memref_slice %arg10[%scan3A_37, %dma_wait3A_54] : memref<40x128xi32, #tpu.memory_space<vmem>> -> memref<1x128xi32, #tpu.memory_space<vmem>>
        %dma_wait3A_56 = tpu.memref_squeeze %dma_wait3A_55 : memref<1x128xi32, #tpu.memory_space<vmem>> -> memref<128xi32, #tpu.memory_space<vmem>>
        %dma_wait3A_57 = arith.constant 0 : i32
        %dma_wait3A_58 = arith.constant 0 : i32
        %dma_wait3A_59 = tpu.memref_slice %arg8[%dma_wait3A_57, %dma_wait3A_58] : memref<10240x128xf32, #tpu.memory_space<vmem_shared>> -> memref<10240x128xf32, #tpu.memory_space<vmem_shared>>
        tpu.wait_indirect_dma semaphore(%run_scoped3A : memref<!tpu.dma_semaphore, #tpu.memory_space<semaphore_mem>>) src(%arg11 : memref<128x128xf32, #tpu.memory_space<vmem>>) dst(%dma_wait3A_59 : memref<10240x128xf32, #tpu.memory_space<vmem_shared>>)
        tpu.yield
      }) : () -> ()
    }
    %scan3A_17 = arith.constant 40 : i32
    %mul3A_18 = arith.constant 80 : i32
    %mul3A_19 = arith.muli %add3A, %mul3A_18 : i32
    %add3A_20 = arith.constant 40 : i32
    %add3A_21 = arith.addi %mul3A_19, %add3A_20 : i32
    "tpu.region"() ({
      %run_scoped3A = tpu.sem_alloc : memref<!tpu.dma_semaphore, #tpu.memory_space<semaphore_mem>>
      %dma_start3A = arith.constant 0 : i32
      %dma_start3A_37 = tpu.memref_slice %arg3[%add3A_21, %dma_start3A] : memref<2560x128xi32, #tpu.memory_space<hbm>> -> memref<40x128xi32, #tpu.memory_space<hbm>>
      %dma_start3A_38 = arith.constant 0 : i32
      %dma_start3A_39 = tpu.memref_slice %arg3[%add3A_21, %dma_start3A_38] : memref<2560x128xi32, #tpu.memory_space<hbm>> -> memref<40x128xi32, #tpu.memory_space<hbm>>
      tpu.enqueue_dma source(%dma_start3A_39 : memref<40x128xi32, #tpu.memory_space<hbm>>) target(%arg9 : memref<40x128xi32, #tpu.memory_space<vmem>>) target_semaphore(%run_scoped3A : memref<!tpu.dma_semaphore, #tpu.memory_space<semaphore_mem>>)
      %dma_wait3A = arith.constant 0 : i32
      %dma_wait3A_40 = tpu.memref_slice %arg3[%add3A_21, %dma_wait3A] : memref<2560x128xi32, #tpu.memory_space<hbm>> -> memref<40x128xi32, #tpu.memory_space<hbm>>
      %dma_wait3A_41 = arith.constant 0 : i32
      %dma_wait3A_42 = tpu.memref_slice %arg3[%add3A_21, %dma_wait3A_41] : memref<2560x128xi32, #tpu.memory_space<hbm>> -> memref<40x128xi32, #tpu.memory_space<hbm>>
      tpu.wait_dma2 semaphore(%run_scoped3A : memref<!tpu.dma_semaphore, #tpu.memory_space<semaphore_mem>>) src(%dma_wait3A_42 : memref<40x128xi32, #tpu.memory_space<hbm>>) dst(%arg9 : memref<40x128xi32, #tpu.memory_space<vmem>>)
      tpu.yield
    }) : () -> ()
    %mul3A_22 = arith.constant 80 : i32
    %mul3A_23 = arith.muli %add3A, %mul3A_22 : i32
    %add3A_24 = arith.constant 40 : i32
    %add3A_25 = arith.addi %mul3A_23, %add3A_24 : i32
    "tpu.region"() ({
      %run_scoped3A = tpu.sem_alloc : memref<!tpu.dma_semaphore, #tpu.memory_space<semaphore_mem>>
      %dma_start3A = arith.constant 0 : i32
      %dma_start3A_37 = tpu.memref_slice %arg4[%add3A_25, %dma_start3A] : memref<2560x128xi32, #tpu.memory_space<hbm>> -> memref<40x128xi32, #tpu.memory_space<hbm>>
      %dma_start3A_38 = arith.constant 0 : i32
      %dma_start3A_39 = tpu.memref_slice %arg4[%add3A_25, %dma_start3A_38] : memref<2560x128xi32, #tpu.memory_space<hbm>> -> memref<40x128xi32, #tpu.memory_space<hbm>>
      tpu.enqueue_dma source(%dma_start3A_39 : memref<40x128xi32, #tpu.memory_space<hbm>>) target(%arg10 : memref<40x128xi32, #tpu.memory_space<vmem>>) target_semaphore(%run_scoped3A : memref<!tpu.dma_semaphore, #tpu.memory_space<semaphore_mem>>)
      %dma_wait3A = arith.constant 0 : i32
      %dma_wait3A_40 = tpu.memref_slice %arg4[%add3A_25, %dma_wait3A] : memref<2560x128xi32, #tpu.memory_space<hbm>> -> memref<40x128xi32, #tpu.memory_space<hbm>>
      %dma_wait3A_41 = arith.constant 0 : i32
      %dma_wait3A_42 = tpu.memref_slice %arg4[%add3A_25, %dma_wait3A_41] : memref<2560x128xi32, #tpu.memory_space<hbm>> -> memref<40x128xi32, #tpu.memory_space<hbm>>
      tpu.wait_dma2 semaphore(%run_scoped3A : memref<!tpu.dma_semaphore, #tpu.memory_space<semaphore_mem>>) src(%dma_wait3A_42 : memref<40x128xi32, #tpu.memory_space<hbm>>) dst(%arg10 : memref<40x128xi32, #tpu.memory_space<vmem>>)
      tpu.yield
    }) : () -> ()
    %scan3A_26 = arith.constant 0 : i32
    %scan3A_27 = arith.constant 0 : i32
    %scan3A_28 = arith.constant 40 : i32
    %scan3A_29 = arith.addi %scan3A_27, %scan3A_28 : i32
    %scan3A_30 = arith.constant 1 : i32
    scf.for %scan3A_37 = %scan3A_27 to %scan3A_29 step %scan3A_30  : i32 {
      %dma_start3A = arith.constant 0 : i32
      %dma_start3A_38 = tpu.memref_slice %arg9[%scan3A_37, %dma_start3A] : memref<40x128xi32, #tpu.memory_space<vmem>> -> memref<1x128xi32, #tpu.memory_space<vmem>>
      %dma_start3A_39 = tpu.memref_squeeze %dma_start3A_38 : memref<1x128xi32, #tpu.memory_space<vmem>> -> memref<128xi32, #tpu.memory_space<vmem>>
      %dma_start3A_40 = arith.constant 0 : i32
      %dma_start3A_41 = arith.constant 0 : i32
      %dma_start3A_42 = tpu.memref_slice %arg2[%dma_start3A_40, %dma_start3A_41] : memref<10240x128xf32, #tpu.memory_space<hbm>> -> memref<10240x128xf32, #tpu.memory_space<hbm>>
      tpu.enqueue_indirect_dma source(%dma_start3A_42 : memref<10240x128xf32, #tpu.memory_space<hbm>>) target(%arg11 : memref<128x128xf32, #tpu.memory_space<vmem>>) offsets(%dma_start3A_39 : memref<128xi32, #tpu.memory_space<vmem>>) semaphore(%arg13 : memref<!tpu.dma_semaphore, #tpu.memory_space<semaphore_mem>>)
      "tpu.region"() ({
        %run_scoped3A = tpu.sem_alloc : memref<!tpu.dma_semaphore, #tpu.memory_space<semaphore_mem>>
        %dma_start3A_48 = arith.constant 0 : i32
        %dma_start3A_49 = tpu.memref_slice %arg9[%scan3A_37, %dma_start3A_48] : memref<40x128xi32, #tpu.memory_space<vmem>> -> memref<1x128xi32, #tpu.memory_space<vmem>>
        %dma_start3A_50 = tpu.memref_squeeze %dma_start3A_49 : memref<1x128xi32, #tpu.memory_space<vmem>> -> memref<128xi32, #tpu.memory_space<vmem>>
        %dma_start3A_51 = arith.constant 0 : i32
        %dma_start3A_52 = arith.constant 0 : i32
        %dma_start3A_53 = tpu.memref_slice %arg8[%dma_start3A_51, %dma_start3A_52] : memref<10240x128xf32, #tpu.memory_space<vmem_shared>> -> memref<10240x128xf32, #tpu.memory_space<vmem_shared>>
        tpu.enqueue_indirect_dma source(%arg12 : memref<128x128xf32, #tpu.memory_space<vmem>>) target(%dma_start3A_53 : memref<10240x128xf32, #tpu.memory_space<vmem_shared>>) offsets(%dma_start3A_50 : memref<128xi32, #tpu.memory_space<vmem>>) semaphore(%run_scoped3A : memref<!tpu.dma_semaphore, #tpu.memory_space<semaphore_mem>>) {add = true}
        %dma_wait3A_54 = arith.constant 0 : i32
        %dma_wait3A_55 = tpu.memref_slice %arg9[%scan3A_37, %dma_wait3A_54] : memref<40x128xi32, #tpu.memory_space<vmem>> -> memref<1x128xi32, #tpu.memory_space<vmem>>
        %dma_wait3A_56 = tpu.memref_squeeze %dma_wait3A_55 : memref<1x128xi32, #tpu.memory_space<vmem>> -> memref<128xi32, #tpu.memory_space<vmem>>
        %dma_wait3A_57 = arith.constant 0 : i32
        %dma_wait3A_58 = arith.constant 0 : i32
        %dma_wait3A_59 = tpu.memref_slice %arg8[%dma_wait3A_57, %dma_wait3A_58] : memref<10240x128xf32, #tpu.memory_space<vmem_shared>> -> memref<10240x128xf32, #tpu.memory_space<vmem_shared>>
        tpu.wait_indirect_dma semaphore(%run_scoped3A : memref<!tpu.dma_semaphore, #tpu.memory_space<semaphore_mem>>) src(%arg12 : memref<128x128xf32, #tpu.memory_space<vmem>>) dst(%dma_wait3A_59 : memref<10240x128xf32, #tpu.memory_space<vmem_shared>>)
        tpu.yield
      }) : () -> ()
      %dma_wait3A = arith.constant 0 : i32
      %dma_wait3A_43 = tpu.memref_slice %arg9[%scan3A_37, %dma_wait3A] : memref<40x128xi32, #tpu.memory_space<vmem>> -> memref<1x128xi32, #tpu.memory_space<vmem>>
      %dma_wait3A_44 = tpu.memref_squeeze %dma_wait3A_43 : memref<1x128xi32, #tpu.memory_space<vmem>> -> memref<128xi32, #tpu.memory_space<vmem>>
      %dma_wait3A_45 = arith.constant 0 : i32
      %dma_wait3A_46 = arith.constant 0 : i32
      %dma_wait3A_47 = tpu.memref_slice %arg2[%dma_wait3A_45, %dma_wait3A_46] : memref<10240x128xf32, #tpu.memory_space<hbm>> -> memref<10240x128xf32, #tpu.memory_space<hbm>>
      tpu.wait_indirect_dma semaphore(%arg13 : memref<!tpu.dma_semaphore, #tpu.memory_space<semaphore_mem>>) src(%dma_wait3A_47 : memref<10240x128xf32, #tpu.memory_space<hbm>>) dst(%arg11 : memref<128x128xf32, #tpu.memory_space<vmem>>)
      "tpu.region"() ({
        %run_scoped3A = tpu.sem_alloc : memref<!tpu.dma_semaphore, #tpu.memory_space<semaphore_mem>>
        %dma_start3A_48 = arith.constant 0 : i32
        %dma_start3A_49 = tpu.memref_slice %arg10[%scan3A_37, %dma_start3A_48] : memref<40x128xi32, #tpu.memory_space<vmem>> -> memref<1x128xi32, #tpu.memory_space<vmem>>
        %dma_start3A_50 = tpu.memref_squeeze %dma_start3A_49 : memref<1x128xi32, #tpu.memory_space<vmem>> -> memref<128xi32, #tpu.memory_space<vmem>>
        %dma_start3A_51 = arith.constant 0 : i32
        %dma_start3A_52 = arith.constant 0 : i32
        %dma_start3A_53 = tpu.memref_slice %arg8[%dma_start3A_51, %dma_start3A_52] : memref<10240x128xf32, #tpu.memory_space<vmem_shared>> -> memref<10240x128xf32, #tpu.memory_space<vmem_shared>>
        tpu.enqueue_indirect_dma source(%arg11 : memref<128x128xf32, #tpu.memory_space<vmem>>) target(%dma_start3A_53 : memref<10240x128xf32, #tpu.memory_space<vmem_shared>>) offsets(%dma_start3A_50 : memref<128xi32, #tpu.memory_space<vmem>>) semaphore(%run_scoped3A : memref<!tpu.dma_semaphore, #tpu.memory_space<semaphore_mem>>) {add = true}
        %dma_wait3A_54 = arith.constant 0 : i32
        %dma_wait3A_55 = tpu.memref_slice %arg10[%scan3A_37, %dma_wait3A_54] : memref<40x128xi32, #tpu.memory_space<vmem>> -> memref<1x128xi32, #tpu.memory_space<vmem>>
        %dma_wait3A_56 = tpu.memref_squeeze %dma_wait3A_55 : memref<1x128xi32, #tpu.memory_space<vmem>> -> memref<128xi32, #tpu.memory_space<vmem>>
        %dma_wait3A_57 = arith.constant 0 : i32
        %dma_wait3A_58 = arith.constant 0 : i32
        %dma_wait3A_59 = tpu.memref_slice %arg8[%dma_wait3A_57, %dma_wait3A_58] : memref<10240x128xf32, #tpu.memory_space<vmem_shared>> -> memref<10240x128xf32, #tpu.memory_space<vmem_shared>>
        tpu.wait_indirect_dma semaphore(%run_scoped3A : memref<!tpu.dma_semaphore, #tpu.memory_space<semaphore_mem>>) src(%arg11 : memref<128x128xf32, #tpu.memory_space<vmem>>) dst(%dma_wait3A_59 : memref<10240x128xf32, #tpu.memory_space<vmem_shared>>)
        tpu.yield
      }) : () -> ()
    }
    %scan3A_31 = arith.constant 40 : i32
    %barrier3A_32 = arith.constant 0 : index
    tpu.barrier barrier_id(%barrier3A_32)
    %mul3A_33 = arith.constant 640 : i32
    %mul3A_34 = arith.muli %arg1, %mul3A_33 : i32
    %mul3A_35 = arith.constant 640 : i32
    %mul3A_36 = arith.muli %arg1, %mul3A_35 : i32
    "tpu.region"() ({
      %run_scoped3A = tpu.sem_alloc : memref<!tpu.dma_semaphore, #tpu.memory_space<semaphore_mem>>
      %dma_start3A = arith.constant 0 : i32
      %dma_start3A_37 = tpu.memref_slice %arg7[%arg0, %mul3A_36, %dma_start3A] : memref<2x10240x128xf32, #tpu.memory_space<hbm>> -> memref<1x640x128xf32, #tpu.memory_space<hbm>>
      %dma_start3A_38 = tpu.memref_squeeze %dma_start3A_37 : memref<1x640x128xf32, #tpu.memory_space<hbm>> -> memref<640x128xf32, #tpu.memory_space<hbm>>
      %dma_start3A_39 = arith.constant 0 : i32
      %dma_start3A_40 = tpu.memref_slice %arg8[%mul3A_34, %dma_start3A_39] : memref<10240x128xf32, #tpu.memory_space<vmem_shared>> -> memref<640x128xf32, #tpu.memory_space<vmem_shared>>
      tpu.enqueue_dma source(%dma_start3A_40 : memref<640x128xf32, #tpu.memory_space<vmem_shared>>) target(%dma_start3A_38 : memref<640x128xf32, #tpu.memory_space<hbm>>) target_semaphore(%run_scoped3A : memref<!tpu.dma_semaphore, #tpu.memory_space<semaphore_mem>>)
      %dma_wait3A = arith.constant 0 : i32
      %dma_wait3A_41 = tpu.memref_slice %arg7[%arg0, %mul3A_36, %dma_wait3A] : memref<2x10240x128xf32, #tpu.memory_space<hbm>> -> memref<1x640x128xf32, #tpu.memory_space<hbm>>
      %dma_wait3A_42 = tpu.memref_squeeze %dma_wait3A_41 : memref<1x640x128xf32, #tpu.memory_space<hbm>> -> memref<640x128xf32, #tpu.memory_space<hbm>>
      %dma_wait3A_43 = arith.constant 0 : i32
      %dma_wait3A_44 = tpu.memref_slice %arg8[%mul3A_34, %dma_wait3A_43] : memref<10240x128xf32, #tpu.memory_space<vmem_shared>> -> memref<640x128xf32, #tpu.memory_space<vmem_shared>>
      tpu.wait_dma2 semaphore(%run_scoped3A : memref<!tpu.dma_semaphore, #tpu.memory_space<semaphore_mem>>) src(%dma_wait3A_44 : memref<640x128xf32, #tpu.memory_space<vmem_shared>>) dst(%dma_wait3A_42 : memref<640x128xf32, #tpu.memory_space<hbm>>)
      tpu.yield
    }) : () -> ()
    return
  }
}

module attributes {stable_mosaic.version = 14 : i64} {
  func.func @_matmul_body(%arg0: memref<10240x128xf32, #tpu.memory_space<vmem>>, %arg1: memref<128x128xf32, #tpu.memory_space<vmem>>, %arg2: memref<10240x128xf32, #tpu.memory_space<vmem>>) attributes {dimension_semantics = [], scalar_prefetch = 0 : i64, scratch_operands = 0 : i64, tpu.core_type = #tpu.core_type<tc>} {
    %get3A = arith.constant 0 : index
    %get3A_0 = arith.constant 0 : index
    %get3A_1 = vector.load %arg0[%get3A, %get3A_0] : memref<10240x128xf32, #tpu.memory_space<vmem>>, vector<10240x128xf32>
    %get3A_2 = arith.constant 0 : index
    %get3A_3 = arith.constant 0 : index
    %get3A_4 = vector.load %arg1[%get3A_2, %get3A_3] : memref<128x128xf32, #tpu.memory_space<vmem>>, vector<128x128xf32>
    %dot_general3A = arith.constant dense<0.000000e+00> : vector<10240x128xf32>
    %dot_general3A_5 = tpu.matmul %get3A_1, %get3A_4, %dot_general3A {dimension_numbers = #tpu.dot_dimension_numbers<[1], [0], [0], [1], [0, 0, 1, 1], [], []>, transpose_lhs_hint = false} : vector<10240x128xf32>, vector<128x128xf32>, vector<10240x128xf32> -> vector<10240x128xf32>
    %swap3A = arith.constant 0 : index
    %swap3A_6 = arith.constant 0 : index
    %swap3A_7 = vector.load %arg2[%swap3A, %swap3A_6] : memref<10240x128xf32, #tpu.memory_space<vmem>>, vector<10240x128xf32>
    tpu.vector_store %arg2[%swap3A, %swap3A_6], %dot_general3A_5 {strides = array<i32>} : memref<10240x128xf32, #tpu.memory_space<vmem>>, vector<10240x128xf32>,
    return
  }
}

module attributes {stable_mosaic.version = 14 : i64} {
  func.func @_finalize_body(%arg0: i32, %arg1: memref<2x2048x128xf32, #tpu.memory_space<vmem>>, %arg2: memref<128x128xf32, #tpu.memory_space<vmem>>, %arg3: memref<128x1xf32, #tpu.memory_space<vmem>>, %arg4: memref<1x1xf32, #tpu.memory_space<vmem>>, %arg5: memref<1x128xf32, #tpu.memory_space<vmem>>) attributes {dimension_semantics = [#tpu.dimension_semantics<arbitrary>], iteration_bounds = array<i64: 5>, scalar_prefetch = 0 : i64, scratch_operands = 1 : i64, tpu.core_type = #tpu.core_type<tc>, window_params = [{transform_indices = @transform_0, window_bounds = array<i64: 2, 2048, 128>}, {pipeline_mode = #tpu.pipeline_mode<synchronous>, transform_indices = @transform_1, window_bounds = array<i64: 128, 128>}, {pipeline_mode = #tpu.pipeline_mode<synchronous>, transform_indices = @transform_2, window_bounds = array<i64: 128, 1>}, {pipeline_mode = #tpu.pipeline_mode<synchronous>, transform_indices = @transform_3, window_bounds = array<i64: 1, 1>}]} {
    %eq3A = arith.constant 0 : i32
    %eq3A_0 = arith.cmpi eq, %arg0, %eq3A : i32
    %convert_element_type3A = arith.extui %eq3A_0 : i1 to i32
    %cond3A = arith.constant 0 : i32
    %cond3A_1 = arith.cmpi ne, %convert_element_type3A, %cond3A : i32
    scf.if %cond3A_1 {
      %broadcast_in_dim3A_26 = arith.constant 0.000000e+00 : f32
      %broadcast_in_dim3A_27 = vector.broadcast %broadcast_in_dim3A_26 : f32 to vector<1x128xf32>
      %swap3A_28 = arith.constant 0 : index
      %swap3A_29 = arith.constant 0 : index
      %swap3A_30 = vector.load %arg5[%swap3A_28, %swap3A_29] : memref<1x128xf32, #tpu.memory_space<vmem>>, vector<1x128xf32>
      tpu.vector_store %arg5[%swap3A_28, %swap3A_29], %broadcast_in_dim3A_27 {strides = array<i32>} : memref<1x128xf32, #tpu.memory_space<vmem>>, vector<1x128xf32>,
    } else {
    }
    %get3A = arith.constant 0 : index
    %get3A_2 = arith.constant 0 : index
    %get3A_3 = arith.constant 0 : index
    %get3A_4 = vector.load %arg1[%get3A, %get3A_2, %get3A_3] : memref<2x2048x128xf32, #tpu.memory_space<vmem>>, vector<1x2048x128xf32>
    %get3A_5 = vector.shape_cast %get3A_4 : vector<1x2048x128xf32> to vector<2048x128xf32>
    %get3A_6 = arith.constant 1 : index
    %get3A_7 = arith.constant 0 : index
    %get3A_8 = arith.constant 0 : index
    %get3A_9 = vector.load %arg1[%get3A_6, %get3A_7, %get3A_8] : memref<2x2048x128xf32, #tpu.memory_space<vmem>>, vector<1x2048x128xf32>
    %get3A_10 = vector.shape_cast %get3A_9 : vector<1x2048x128xf32> to vector<2048x128xf32>
    %add3A = arith.addf %get3A_5, %get3A_10 : vector<2048x128xf32>
    %max3A = arith.constant 0.000000e+00 : f32
    %max3A_11 = vector.broadcast %max3A : f32 to vector<2048x128xf32>
    %max3A_12 = arith.maximumf %add3A, %max3A_11 : vector<2048x128xf32>
    %get3A_13 = arith.constant 0 : index
    %get3A_14 = arith.constant 0 : index
    %get3A_15 = vector.load %arg5[%get3A_13, %get3A_14] : memref<1x128xf32, #tpu.memory_space<vmem>>, vector<1x128xf32>
    %slice3A = vector.extract_strided_slice %max3A_12 {offsets = [0, 10], sizes = [2048, 1], strides = [1, 1]} : vector<2048x128xf32> to vector<2048x1xf32>
    %mul3A = vector.broadcast %slice3A : vector<2048x1xf32> to vector<2048x128xf32>
    %mul3A_16 = arith.mulf %max3A_12, %mul3A : vector<2048x128xf32>
    %reduce_sum3A = arith.constant dense<0.000000e+00> : vector<128xf32>
    %reduce_sum3A_17 = vector.multi_reduction <add>, %mul3A_16, %reduce_sum3A [0] : vector<2048x128xf32> to vector<128xf32>
    %broadcast_in_dim3A = vector.shape_cast %reduce_sum3A_17 : vector<128xf32> to vector<1x128xf32>
    %add3A_18 = arith.addf %get3A_15, %broadcast_in_dim3A : vector<1x128xf32>
    %swap3A = arith.constant 0 : index
    %swap3A_19 = arith.constant 0 : index
    %swap3A_20 = vector.load %arg5[%swap3A, %swap3A_19] : memref<1x128xf32, #tpu.memory_space<vmem>>, vector<1x128xf32>
    tpu.vector_store %arg5[%swap3A, %swap3A_19], %add3A_18 {strides = array<i32>} : memref<1x128xf32, #tpu.memory_space<vmem>>, vector<1x128xf32>,
    %eq3A_21 = arith.constant 4 : i32
    %eq3A_22 = arith.cmpi eq, %arg0, %eq3A_21 : i32
    %convert_element_type3A_23 = arith.extui %eq3A_22 : i1 to i32
    %cond3A_24 = arith.constant 0 : i32
    %cond3A_25 = arith.cmpi ne, %convert_element_type3A_23, %cond3A_24 : i32
    scf.if %cond3A_25 {
      %get3A_26 = arith.constant 0 : index
      %get3A_27 = arith.constant 0 : index
      %get3A_28 = vector.load %arg5[%get3A_26, %get3A_27] : memref<1x128xf32, #tpu.memory_space<vmem>>, vector<1x128xf32>
      %mul3A_29 = arith.constant 9.99999974E-5 : f32
      %mul3A_30 = vector.broadcast %mul3A_29 : f32 to vector<1x128xf32>
      %mul3A_31 = arith.mulf %get3A_28, %mul3A_30 : vector<1x128xf32>
      %get3A_32 = arith.constant 0 : index
      %get3A_33 = arith.constant 0 : index
      %get3A_34 = vector.load %arg2[%get3A_32, %get3A_33] : memref<128x128xf32, #tpu.memory_space<vmem>>, vector<128x128xf32>
      %dot_general3A = arith.constant dense<0.000000e+00> : vector<1x128xf32>
      %dot_general3A_35 = tpu.matmul %mul3A_31, %get3A_34, %dot_general3A {dimension_numbers = #tpu.dot_dimension_numbers<[1], [0], [0], [1], [0, 0, 1, 1], [], []>, transpose_lhs_hint = false} : vector<1x128xf32>, vector<128x128xf32>, vector<1x128xf32> -> vector<1x128xf32>
      %get3A_36 = arith.constant 0 : index
      %get3A_37 = arith.constant 0 : index
      %get3A_38 = vector.load %arg3[%get3A_36, %get3A_37] : memref<128x1xf32, #tpu.memory_space<vmem>>, vector<128x1xf32>
      %dot_general3A_39 = arith.constant dense<0.000000e+00> : vector<1x1xf32>
      %dot_general3A_40 = tpu.matmul %dot_general3A_35, %get3A_38, %dot_general3A_39 {dimension_numbers = #tpu.dot_dimension_numbers<[1], [0], [0], [1], [0, 0, 1, 1], [], []>, transpose_lhs_hint = false} : vector<1x128xf32>, vector<128x1xf32>, vector<1x1xf32> -> vector<1x1xf32>
      %neg3A = arith.constant 0.000000e+00 : f32
      %neg3A_41 = vector.broadcast %neg3A : f32 to vector<1x1xf32>
      %neg3A_42 = arith.subf %neg3A_41, %dot_general3A_40 : vector<1x1xf32>
      %exp3A = math.exp %neg3A_42 : vector<1x1xf32>
      %add3A_43 = arith.constant 1.000000e+00 : f32
      %add3A_44 = vector.broadcast %add3A_43 : f32 to vector<1x1xf32>
      %add3A_45 = arith.addf %add3A_44, %exp3A : vector<1x1xf32>
      %div3A = arith.constant 1.000000e+00 : f32
      %div3A_46 = vector.broadcast %div3A : f32 to vector<1x1xf32>
      %div3A_47 = arith.divf %div3A_46, %add3A_45 : vector<1x1xf32>
      %swap3A_48 = arith.constant 0 : index
      %swap3A_49 = arith.constant 0 : index
      %swap3A_50 = vector.load %arg4[%swap3A_48, %swap3A_49] : memref<1x1xf32, #tpu.memory_space<vmem>>, vector<1x1xf32>
      tpu.vector_store %arg4[%swap3A_48, %swap3A_49], %div3A_47 {strides = array<i32>} : memref<1x1xf32, #tpu.memory_space<vmem>>, vector<1x1xf32>,
    } else {
    }
    return
  }
  func.func @transform_0(%arg0: i32) -> (i32, i32, i32) {
    %c0_i32 = arith.constant 0 : i32
    %c0_i32_0 = arith.constant 0 : i32
    %c0_i32_1 = arith.constant 0 : i32
    return %c0_i32, %arg0, %c0_i32_0 : i32, i32, i32
  }
  func.func @transform_1(%arg0: i32) -> (i32, i32) {
    %c0_i32 = arith.constant 0 : i32
    %c0_i32_0 = arith.constant 0 : i32
    %c0_i32_1 = arith.constant 0 : i32
    return %c0_i32, %c0_i32_0 : i32, i32
  }
  func.func @transform_2(%arg0: i32) -> (i32, i32) {
    %c0_i32 = arith.constant 0 : i32
    %c0_i32_0 = arith.constant 0 : i32
    %c0_i32_1 = arith.constant 0 : i32
    return %c0_i32, %c0_i32_0 : i32, i32
  }
  func.func @transform_3(%arg0: i32) -> (i32, i32) {
    %c0_i32 = arith.constant 0 : i32
    %c0_i32_0 = arith.constant 0 : i32
    %c0_i32_1 = arith.constant 0 : i32
    return %c0_i32, %c0_i32_0 : i32, i32
  }
}

</mosaic_0001>

<sc_bundles>
// kernel: kernel.5.cloned.1.call-start
scs
__scs_entry_jumppad:
0x0: {  	(pc) =	sbr.rel $0x88, $3  }
0x1: {  	(tag) =	ssettag $0x0;
	lr =	simm.s32 $0x1  }
0x2: {  	[smem:$0x3F9C] =	sst lr;
	_ =	strace $0xD0000000  }
0x3: {  	_ = 	snop  }
0x4: {  	_ = 	snop  }
0x5: {  	_ = 	snop  }
0x6: {  	_ = 	snop  }
0x7: {  	_ = 	snop  }
__scs_overlays_trampoline_lowered:
0x8: {  	[smem:$0x3FAB] =	sst s0  }
0x9: {  	[smem:$0x3FAC] =	sst s1  }
0xa: {  	[smem:$0x3FAD] =	sst s2  }
0xb: {  	[smem:$0x3FAE] =	sst s3  }
0xc: {  	[smem:$0x3FAF] =	sst s4  }
0xd: {  	[smem:$0x3FB0] =	sst s5  }
0xe: {  	[smem:$0x3FB1] =	sst s6  }
0xf: {  	[smem:$0x3FB2] =	sst s7  }
0x10: {  	[smem:$0x3FB3] =	sst s8  }
0x11: {  	[smem:$0x3FB4] =	sst s9;
	s0 =	simm.s32 @!p0 $0x0  }
0x12: {  	s1 =	sld [smem:$0x3F9A];
	s0 =	simm.s32 @p0 $0x1  }
0x13: {  	[smem:$0x3FB5] =	sst s0;
	s0 =	simm.s32 @!p1 $0x0  }
0x14: {  	s2 =	sld [smem:$0x3F99];
	s0 =	simm.s32 @p1 $0x1  }
0x15: {  	[smem:$0x3FB6] =	sst s0;
	s0 =	simm.s32 @!p2 $0x0  }
0x16: {  	s3 =	sld [smem:$0x3FDB];
	s0 =	simm.s32 @p2 $0x1  }
0x17: {  	s4 =	simm.s32 $0x1BF5;
	[smem:$0x3FB8] =	sst s0  }
0x18: {  	s0 =	sld [smem:$0x3F9B];
	_ =	swait.ge [sflag:s4], $0x0  }
0x19: {  	s7 =	sld [smem:$0x3F9C]  }
0x1a: {  	s8 =	sadd.s32 $0xFFFFE003, lr  }
0x1b: {  	s9 =	sadd.s32 $0xFFFFFEF7, lr;
	s5 =	simm.s32 $0xFFFFFFFF;
	p2 =	slt.u32 s8, $0xFFFFF086  }
0x1c: {  	p1 =	slt.u32 s9, $0xF7A;
	s5 =	simm.s32 @!p2 $0x0  }
0x1d: {  	s5 =	simm.s32 @p1 $0x1;
	p0 =	seq.s32 s7, s2  }
0x1e: {  	s7 =	smul.u32 @!p0 $0xF7A, s2;
	p2 =	seq.s32 @!p0 s5, $0x0  }
0x1f: {  	s9 =	smul.u32 $0xF7A, s1;
	s8 =	simm.s32 @!p0 $0x1BF5;
	p2 =	por !p2, p0  }
0x20: {  	[sflag:s8] =	ssyncset.s32 @!p0 $0xFFFFF086;
	s6 =	sadd.s32 @!p0 s3, s7;
	s7 =	simm.s32 @!p0 $0x108  }
0x21: {  	s3 =	sadd.s32 s3, s9;
	s6 =	sadd.s32 @!p0 $0x88, s6;
	s7 =	simm.s32 @p2 $0x1082  }
0x22: {  	[simem:s7], [sflag:s8] =	dma.local @!p0 [hbm:s6], $0xF7A  }
0x23: {  	s9 =	sor.u32 $0xD0000000, s2;
	s6 =	simm.s32 $0x108;
	_ =	swait.ge @!p0 [sflag:s8], $0x0  }
0x24: {  	s3 =	sadd.s32 $0x88, s3;
	s6 =	simm.s32 @!p1 $0x1082;
	[sflag:s4] =	ssyncset.s32 $0xFFFFF086  }
0x25: {  	[simem:s6], [sflag:s4] =	dma.local [hbm:s3], $0xF7A  }
0x26: {  	[smem:$0x3F9C] =	sst s1;
	(tag) =	ssettag s2;
	_ =	strace s9  }
0x27: {  	s1 =	sld [smem:$0x3FAC]  }
0x28: {  	s2 =	sld [smem:$0x3FAD]  }
0x29: {  	s4 =	sld [smem:$0x3FAF]  }
0x2a: {  	p0 =	seq.s32 s5, $0x0;
	s5 =	sld [smem:$0x3FB0]  }
0x2b: {  	s6 =	sld [smem:$0x3FB1]  }
0x2c: {  	s7 =	sld [smem:$0x3FB2]  }
0x2d: {  	s3 =	simm.s32 $0x108;
	s8 =	sld [smem:$0x3FB3]  }
0x2e: {  	s3 =	simm.s32 @!p0 $0x1082;
	s9 =	sld [smem:$0x3FB4]  }
0x2f: {  	lr =	sadd.s32 s0, s3;
	s0 =	sld [smem:$0x3FAB]  }
0x30: {  	s3 =	sld [smem:$0x3FAE]  }
0x31: {  	[smem:$0x3FB7] =	sst s10  }
0x32: {  	s10 =	sld [smem:$0x3FB5];
	_ =	sdelay $0x3  }
0x33: {  	p0 =	seq.s32 s10, $0x1;
	s10 =	sld [smem:$0x3FB7];
	_ =	sdelay $0x3  }
0x34: {  	[smem:$0x3FB7] =	sst s10  }
0x35: {  	s10 =	sld [smem:$0x3FB6];
	_ =	sdelay $0x3  }
0x36: {  	p1 =	seq.s32 s10, $0x1;
	s10 =	sld [smem:$0x3FB7];
	_ =	sdelay $0x3  }
0x37: {  	[smem:$0x3FB7] =	sst s10  }
0x38: {  	s10 =	sld [smem:$0x3FB8]  }
0x39: {  	_ = 	snop;
	(pc) =	sbr.ind lr, $3  }
0x3a: {  	_ = 	snop  }
0x3b: {  	_ = 	snop  }
0x3c: {  	p2 =	seq.s32 s10, $0x1;
	s10 =	sld [smem:$0x3FB7]  }
0x3d: {  	_ =	shalt  }
0x3e: {  	_ =	shalt  }
0x3f: {  	_ =	shalt  }
0x40: {  	_ =	shalt  }
0x41: {  	_ =	shalt  }
0x42: {  	_ =	shalt  }
0x43: {  	_ =	shalt  }
0x44: {  	_ =	shalt  }
0x45: {  	_ =	shalt  }
0x46: {  	_ =	shalt  }
0x47: {  	_ =	shalt  }
0x48: {  	_ =	shalt  }
0x49: {  	_ =	shalt  }
0x4a: {  	_ =	shalt  }
0x4b: {  	_ =	shalt  }
0x4c: {  	_ =	shalt  }
0x4d: {  	_ =	shalt  }
0x4e: {  	_ =	shalt  }
0x4f: {  	_ =	shalt  }
0x50: {  	_ =	shalt  }
0x51: {  	_ =	shalt  }
0x52: {  	_ =	shalt  }
0x53: {  	_ =	shalt  }
0x54: {  	_ =	shalt  }
0x55: {  	_ =	shalt  }
0x56: {  	_ =	shalt  }
0x57: {  	_ =	shalt  }
0x58: {  	_ =	shalt  }
0x59: {  	_ =	shalt  }
0x5a: {  	_ =	shalt  }
0x5b: {  	_ =	shalt  }
0x5c: {  	_ =	shalt  }
0x5d: {  	_ =	shalt  }
0x5e: {  	_ =	shalt  }
0x5f: {  	_ =	shalt  }
0x60: {  	_ =	shalt  }
0x61: {  	_ =	shalt  }
0x62: {  	_ =	shalt  }
0x63: {  	_ =	shalt  }
0x64: {  	_ =	shalt  }
0x65: {  	_ =	shalt  }
0x66: {  	_ =	shalt  }
0x67: {  	_ =	shalt  }
0x68: {  	_ =	shalt  }
0x69: {  	_ =	shalt  }
0x6a: {  	_ =	shalt  }
0x6b: {  	_ =	shalt  }
0x6c: {  	_ =	shalt  }
0x6d: {  	_ =	shalt  }
0x6e: {  	_ =	shalt  }
0x6f: {  	_ =	shalt  }
0x70: {  	_ =	shalt  }
0x71: {  	_ =	shalt  }
0x72: {  	_ =	shalt  }
0x73: {  	_ =	shalt  }
0x74: {  	_ =	shalt  }
0x75: {  	_ =	shalt  }
0x76: {  	_ =	shalt  }
0x77: {  	_ =	shalt  }
0x78: {  	_ =	shalt  }
0x79: {  	_ =	shalt  }
0x7a: {  	_ =	shalt  }
0x7b: {  	_ =	shalt  }
0x7c: {  	_ =	shalt  }
0x7d: {  	_ =	shalt  }
0x7e: {  	_ =	shalt  }
0x7f: {  	_ =	shalt  }
0x80: {  	_ =	shalt  }
0x81: {  	_ =	shalt  }
0x82: {  	_ =	shalt  }
0x83: {  	_ =	shalt  }
0x84: {  	_ =	shalt  }
0x85: {  	_ =	shalt  }
0x86: {  	_ =	shalt  }
0x87: {  	_ =	shalt  }
.Lfunc_end0:
.L_simem_size_0:
called_computation_lowered:
.L_overlay_start_0:
0x88: {  	s2 =	sld [smem:$0x3FD9]  }
0x89: {  	s3 =	sld [smem:$0x3FFE];
	_ =	sdelay $0x1  }
0x8a: {  	s1 =	srdreg.scid  }
0x8b: {  	s0 =	sand.u32 $0x1, s1  }
0x8c: {  	s16 =	sshll.u32 s0, $0xA;
	s2 =	sadd.s32 s3, s2  }
0x8d: {  	s2 =	sadd.s32 s2, s16  }
0x8e: {  	[smem:$0x3FC3] =	sst s2  }
0x8f: {  	_ = 	snop  }
0x90: {  	(tm) =	ssettm $0x1  }
0x91: {  	s17 =	sld [smem:$0x3FFB];
	_ =	sdelay $0x3  }
0x92: {  	_ =	strace s17  }
0x93: {  	s2 =	sld [smem:$0x3FFC];
	_ =	sdelay $0x3  }
0x94: {  	_ =	strace s2  }
0x95: {  	s2 =	sld [smem:$0x3FFD];
	_ =	sdelay $0x3  }
0x96: {  	_ =	strace s2  }
0x97: {  	_ =	strace $0x8FFFFFFF  }
0x98: {  	s18 =	sld [smem:$0x3FDB];
	_ =	sdelay $0x1  }
0x99: {  	s19 =	simm.s32 $_scs_section_size  }
0x9a: {  	s4 =	simm.s32 $_size__tile_overlayer_lowered;
	s5 =	simm.s32 $_tile_overlayer_lowered  }
0x9b: {  	s22 =	simm.s32 $0x1BFF;
	s21 =	sshll.u32 s5, $0x1;
	s2 =	sadd.s32 s19, s18  }
0x9c: {  	s6 =	simm.s32 $0x0;
	s20 =	sshll.u32 s4, $0x1;
	s4 =	sadd.s32 s21, s2  }
0x9d: {  	[timem:s6], [sflag:s22] =	dma.local [hbm:s4], s20  }
0x9e: {  	_ =	swait.ge [sflag:s22], s20  }
0x9f: {  	s3 =	ssub.s32 $0x0, s20;
	[sflag:s22] =	ssyncset.done $0x0  }
0xa0: {  	[sflag:s22] =	ssyncadd.s32 s3;
	_ =	sdelay $0x1  }
0xa1: {  	s23 =	simm.s32 $0x1B8B  }
0xa2: {  	_ =	swait.ge [sflag:s23], $0x1  }
0xa3: {  	[sflag:s23] =	ssyncset.done $0x0  }
0xa4: {  	s25 =	simm.s32 $0x1B8E;
	s24 =	sld [smem:$0x3FFE];
	[sflag:s23] =	ssyncadd.s32 $0xFFFFFFFF  }
0xa5: {  	s26 =	simm.s32 $execute0_lowered;
	[smem:$0x3FD2] =	sst s25  }
0xa6: {  	s4 =	sshll.u32 s26, $0x1;
	_ =	strace $0x80000046;
	[dreg:$0x1] =	wrdreg $0xFFFFFFFF  }
0xa7: {  	s28 =	simm.s32 $_size_execute0_lowered;
	s2 =	sadd.s32 s2, s4;
	[dreg:$0x0] =	wrdreg $0x0  }
0xa8: {  	s4 =	sshll.u32 s28, $0x1;
	[dreg:$0x2] =	wrdreg s2  }
0xa9: {  	[dreg:$0x3] =	wrdreg s4  }
0xaa: {  	[dreg:$0x4] =	wrdreg $0xC0  }
0xab: {  	_ =	task [dreg:s6], $0x5FFFF  }
0xac: {  	[dreg:$0x1] =	wrdreg $0xFFFFFFFF  }
0xad: {  	[dreg:$0x0] =	wrdreg $0x60  }
0xae: {  	[dreg:$0x2] =	wrdreg s24  }
0xaf: {  	[dreg:$0x3] =	wrdreg $0x0  }
0xb0: {  	[dreg:$0x4] =	wrdreg $0x9  }
0xb1: {  	_ =	task.clear_ibuf [dreg:s6], $0x5FFFF;
	_ =	strace $0x90000046  }
0xb2: {  	s29 =	simm.s32 $0x9;
	_ =	strace $0x80000048  }
0xb3: {  	_ =	swait.ge [sflag:s29], $0x1  }
0xb4: {  	[sflag:s29] =	ssyncadd.s32 $0xFFFFFFFF  }
0xb5: {  	_ =	strace $0x90000048  }
0xb6: {  	_ =	sfence  }
0xb7: {  	s30 =	sld [smem:$0x0];
	_ =	sdelay $0x2  }
0xb8: {  	s31 =	sshll.u32 s1, $0xD;
	s1 =	sshrl.u32 s1, $0x2  }
0xb9: {  	s3 =	sand.u32 $0x4000, s31;
	s1 =	sadd.s32 s1, s30  }
0xba: {  	s0 =	sor.u32 s3, s0;
	s1 =	sshll.u32 s1, $0x11  }
0xbb: {  	s0 =	sor.u32 s1, s0  }
0xbc: {  	s0 =	sadd.s32 $0x8F2B, s0  }
0xbd: {  	[sflag:s0] =	ssyncadd.remote.s32 $0x1  }
0xbe: {  	_ =	sfence.sel $0xFFFF  }
0xbf: {  	[dreg:$0x0] =	wrdreg $0xFFFFFFFF;
	(pc) =	sbr.abs _section_cstart, $3  }
0xc0: {  	[dreg:$0x1] =	wrdreg $0xFFFFFFFF  }
0xc1: {  	_ =	task.clear_ibuf [dreg:s6], $0x2FFFF;
	_ =	strace $0x9FFFFFFF  }
0xc2: {  	(tm) =	ssettm $0x7FFFFFFF  }
0xc3: {  	_ =	shalt  }
tec
execute0_lowered:
.L_overlay_start_1:
0x0: {  	(tag) =	ssettag $0x1  }
0x1: {  	s6 =	rddreg [dreg:$0x0]  }
0x2: {  	s2 =	rddreg [dreg:$0x1]  }
0x3: {  	s0 =	rddreg [dreg:$0x2];
	s3 =	simm.s32 $0x0;
	s1 =	stileid.u32  }
0x4: {  	s5 =	srdreg.scid;
	s18 =	simm.s32 $0x15400;
	s19 =	simm.s32 $0x80  }
0x5: {  	s20 =	simm.s32 $0x16800;
	s21 =	simm.s32 $0x1;
	s22 =	simm.s32 $0x0  }
0x6: {  	[smem:$0x7FF] =	sst s3;
	s7 =	smul.u32 $0x14000, s1;
	s4 =	sadd.s32 $0x200, s6  }
0x7: {  	s8 =	sand.u32 $0x1, s5;
	s10 =	sadd.s32 $0x32200, s6;
	s12 =	sadd.s32 $0x28200, s6  }
0x8: {  	s5 =	sadd.s32 $0x3C200, s6;
	s25 =	sshll.u32 s1, $0x1;
	s13 =	smul.u32 $0x50000, s1  }
0x9: {  	s28 =	sshll.u32 s1, $0x6;
	_ =	strace $0x80000047;
	s11 =	smul.u32 $0x140000, s8  }
0xa: {  	s14 =	ssub.s32 $0x2, s8;
	s8 =	sor.u32 s8, s25;
	s9 =	sshrl.u32 s7, $0x3  }
0xb: {  	s26 =	sshrl.u32 s14, $0x1;
	s13 =	sshrl.u32 s13, $0x2;
	s15 =	smul.u32 $0x2800, s8  }
0xc: {  	s29 =	smul.u32 $0x500, s8;
	s9 =	sadd.s32 s9, s6;
	s7 =	sadd.s32 s7, s11  }
0xd: {  	s14 =	ssub.s32 s14, s26;
	s17 =	sadd.s32 s13, s2;
	s7 =	sshrl.u32 s7, $0x3  }
0xe: {  	s30 =	sshrl.u32 s15, $0x3;
	s8 =	sadd.s32 s10, s29;
	s13 =	smax.u32 s14, $0x1  }
0xf: {  	s14 =	sshrl.u32 s17, $0x3;
	s15 =	simm.s32 $0x2;
	s17 =	simm.s32 $0x14000  }
0x10: {  	s16 =	sadd.s32 s7, s6;
	s6 =	sadd.s32 $0x3CA00, s9;
	s31 =	sadd.s32 $0x280, s30  }
0x11: {  	s7 =	sor.u32 $0x1C02, s28;
	s9 =	sadd.s32 s12, s29;
	s10 =	sadd.s32 s10, s31  }
0x12: {  	s11 =	sadd.s32 s12, s31;
	s12 =	sadd.s32 $0x64A00, s16;
	s16 =	simm.s32 $0x1A800  }
.LBB2_1:
0x13: {  	[spmem:s14], [sflag:s7] =	dma.local [hbm:s6], $0x2800  }
0x14: {  	_ =	swait.ge [sflag:s15], $0x2800  }
0x15: {  	[sflag:s15] =	ssyncset.done $0x0  }
0x16: {  	[sflag:s15] =	ssyncadd.s32 $0xFFFFD800  }
0x17: {  	[tilespmem:s16], [sflag:$0x2] =	stream.linear.gather [hbm4b:s5+s3], $0x4000, $0x38;
	[tilespmem:$0x1E800] =	vst v63  }
0x18: {  	_ =	swait.ge [sflag:s15], $0x4000  }
0x19: {  	[sflag:s15] =	ssyncset.done $0x0  }
0x1a: {  	[sflag:s15] =	ssyncadd.s32 $0xFFFFC000  }
0x1b: {  	[bflag:$0x0] =	sbarrier.arrive $0xFFFF  }
0x1c: {  	[tilespmem:s17], [sflag:$0x2] =	stream.linear.gather [hbm4b:s8+s3], $0x1400, $0x38;
	[tilespmem:$0x1E800] =	vst v63  }
0x1d: {  	_ =	swait.ge [sflag:s15], $0x1400  }
0x1e: {  	[sflag:s15] =	ssyncset.done $0x0  }
0x1f: {  	[sflag:s15] =	ssyncadd.s32 $0xFFFFEC00  }
0x20: {  	[tilespmem:s18], [sflag:$0x2] =	stream.linear.gather [hbm4b:s9+s3], $0x1400, $0x38;
	[tilespmem:$0x1E800] =	vst v63  }
0x21: {  	_ =	swait.ge [sflag:s15], $0x1400  }
0x22: {  	[sflag:s15] =	ssyncset.done $0x0  }
0x23: {  	s23 =	simm.s32 $0x14000;
	[sflag:s15] =	ssyncadd.s32 $0xFFFFEC00  }
0x24: {  	[tilespmem:s20], [sflag:$0x1] =	stream.indirect.gather [hbm4b:s4+s19], $0x80, s23, s19, $0xb8;
	[tilespmem:$0x1E800] =	vst v63  }
0x25: {  	_ = 	snop  }
0x26: {  	[spmem:s2] =	stream.indirect.scatter.add.f32 [tilespmem:s16], [sflag:$0x2], $0x80, s23, s19, $0xb8;
	[tilespmem:$0x1E800] =	vst v63  }
0x27: {  	_ =	swait.ge [sflag:s15], $0x4000  }
0x28: {  	[sflag:s15] =	ssyncset.done $0x0  }
0x29: {  	[sflag:s15] =	ssyncadd.s32 $0xFFFFC000  }
0x2a: {  	_ =	swait.ge [sflag:s21], $0x4000  }
0x2b: {  	[sflag:s21] =	ssyncset.done $0x0  }
0x2c: {  	s31 =	simm.s32 $0x15400;
	[sflag:s21] =	ssyncadd.s32 $0xFFFFC000  }
0x2d: {  	[spmem:s2] =	stream.indirect.scatter.add.f32 [tilespmem:s20], [sflag:$0x2], $0x80, s31, s19, $0xb8;
	[tilespmem:$0x1E800] =	vst v63  }
0x2e: {  	_ =	swait.ge [sflag:s15], $0x4000  }
0x2f: {  	s24 =	simm.s32 $0x400;
	s23 =	simm.s32 $0x80;
	[sflag:s15] =	ssyncset.done $0x0  }
.LBB2_2:
0x30: {  	s25 =	sadd.s32 $0x14000, s23  }
0x31: {  	[sflag:s15] =	ssyncadd.s32 $0xFFFFC000;
	s26 =	smov.u32 s24;
	s28 =	sadd.s32 $0x200, s24  }
0x32: {  	[tilespmem:s20], [sflag:$0x1] =	stream.indirect.gather [hbm4b:s4+s19], $0x80, s25, s19, $0xb8;
	[tilespmem:$0x1E800] =	vst v63  }
0x33: {  	p0 =	sne.s32 s24, $0x4E00  }
0x34: {  	[spmem:s2] =	stream.indirect.scatter.add.f32 [tilespmem:s16], [sflag:$0x2], $0x80, s25, s19, $0xb8;
	[tilespmem:$0x1E800] =	vst v63  }
0x35: {  	_ =	swait.ge [sflag:s15], $0x4000  }
0x36: {  	[sflag:s15] =	ssyncset.done $0x0  }
0x37: {  	[sflag:s15] =	ssyncadd.s32 $0xFFFFC000  }
0x38: {  	_ =	swait.ge [sflag:s21], $0x4000  }
.Ltmp0:
0x39: {  	[sflag:s21] =	ssyncset.done $0x0;
	(pc) =	sbr.rel @p0 .LBB2_2-.Ltmp0, $4  }
0x3a: {  	s23 =	sadd.s32 $0x15400, s23;
	[sflag:s21] =	ssyncadd.s32 $0xFFFFC000  }
0x3b: {  	[spmem:s2] =	stream.indirect.scatter.add.f32 [tilespmem:s20], [sflag:$0x2], $0x80, s23, s19, $0xb8;
	[tilespmem:$0x1E800] =	vst v63  }
0x3c: {  	_ =	swait.ge [sflag:s15], $0x4000  }
0x3d: {  	s24 =	smov.u32 s28;
	s23 =	sshra.s32 s26, $0x2;
	[sflag:s15] =	ssyncset.done $0x0  }
0x3e: {  	s24 =	sadd.s32 $0x14000, s23;
	[sflag:s15] =	ssyncadd.s32 $0xFFFFC000  }
0x3f: {  	[tilespmem:s20], [sflag:$0x1] =	stream.indirect.gather [hbm4b:s4+s19], $0x80, s24, s19, $0xb8;
	[tilespmem:$0x1E800] =	vst v63  }
0x40: {  	_ = 	snop  }
0x41: {  	[spmem:s2] =	stream.indirect.scatter.add.f32 [tilespmem:s16], [sflag:$0x2], $0x80, s24, s19, $0xb8;
	[tilespmem:$0x1E800] =	vst v63  }
0x42: {  	_ =	swait.ge [sflag:s15], $0x4000  }
0x43: {  	[sflag:s15] =	ssyncset.done $0x0  }
0x44: {  	[sflag:s15] =	ssyncadd.s32 $0xFFFFC000  }
0x45: {  	_ =	swait.ge [sflag:s21], $0x4000  }
0x46: {  	[sflag:s21] =	ssyncset.done $0x0  }
0x47: {  	s28 =	sadd.s32 $0x15400, s23;
	[sflag:s21] =	ssyncadd.s32 $0xFFFFC000  }
0x48: {  	[spmem:s2] =	stream.indirect.scatter.add.f32 [tilespmem:s20], [sflag:$0x2], $0x80, s28, s19, $0xb8;
	[tilespmem:$0x1E800] =	vst v63  }
0x49: {  	_ =	swait.ge [sflag:s15], $0x4000  }
0x4a: {  	[sflag:s15] =	ssyncset.done $0x0  }
0x4b: {  	s29 =	simm.s32 $0x0;
	[sflag:s15] =	ssyncadd.s32 $0xFFFFC000  }
0x4c: {  	[tilespmem:s17], [sflag:$0x2] =	stream.linear.gather [hbm4b:s10+s29], $0x1400, $0x38;
	[tilespmem:$0x1E800] =	vst v63  }
0x4d: {  	_ =	swait.ge [sflag:s15], $0x1400  }
0x4e: {  	[sflag:s15] =	ssyncset.done $0x0  }
0x4f: {  	[sflag:s15] =	ssyncadd.s32 $0xFFFFEC00  }
0x50: {  	[tilespmem:s18], [sflag:$0x2] =	stream.linear.gather [hbm4b:s11+s29], $0x1400, $0x38;
	[tilespmem:$0x1E800] =	vst v63  }
0x51: {  	_ =	swait.ge [sflag:s15], $0x1400  }
0x52: {  	[sflag:s15] =	ssyncset.done $0x0  }
0x53: {  	s30 =	simm.s32 $0x14000;
	[sflag:s15] =	ssyncadd.s32 $0xFFFFEC00  }
0x54: {  	[tilespmem:s20], [sflag:$0x1] =	stream.indirect.gather [hbm4b:s4+s19], $0x80, s30, s19, $0xb8;
	[tilespmem:$0x1E800] =	vst v63  }
0x55: {  	_ = 	snop  }
0x56: {  	[spmem:s2] =	stream.indirect.scatter.add.f32 [tilespmem:s16], [sflag:$0x2], $0x80, s30, s19, $0xb8;
	[tilespmem:$0x1E800] =	vst v63  }
0x57: {  	_ =	swait.ge [sflag:s15], $0x4000  }
0x58: {  	[sflag:s15] =	ssyncset.done $0x0  }
0x59: {  	[sflag:s15] =	ssyncadd.s32 $0xFFFFC000  }
0x5a: {  	_ =	swait.ge [sflag:s21], $0x4000  }
0x5b: {  	[sflag:s21] =	ssyncset.done $0x0  }
0x5c: {  	s31 =	simm.s32 $0x15400;
	[sflag:s21] =	ssyncadd.s32 $0xFFFFC000  }
0x5d: {  	[spmem:s2] =	stream.indirect.scatter.add.f32 [tilespmem:s20], [sflag:$0x2], $0x80, s31, s19, $0xb8;
	[tilespmem:$0x1E800] =	vst v63  }
0x5e: {  	_ =	swait.ge [sflag:s15], $0x4000  }
0x5f: {  	s23 =	simm.s32 $0x80;
	s24 =	simm.s32 $0x400;
	[sflag:s15] =	ssyncset.done $0x0  }
.LBB2_4:
0x60: {  	s25 =	sadd.s32 $0x14000, s23  }
0x61: {  	[sflag:s15] =	ssyncadd.s32 $0xFFFFC000;
	s26 =	smov.u32 s24;
	s28 =	sadd.s32 $0x200, s24  }
0x62: {  	[tilespmem:s20], [sflag:$0x1] =	stream.indirect.gather [hbm4b:s4+s19], $0x80, s25, s19, $0xb8;
	[tilespmem:$0x1E800] =	vst v63  }
0x63: {  	p0 =	sne.s32 s24, $0x4E00  }
0x64: {  	[spmem:s2] =	stream.indirect.scatter.add.f32 [tilespmem:s16], [sflag:$0x2], $0x80, s25, s19, $0xb8;
	[tilespmem:$0x1E800] =	vst v63  }
0x65: {  	_ =	swait.ge [sflag:s15], $0x4000  }
0x66: {  	[sflag:s15] =	ssyncset.done $0x0  }
0x67: {  	[sflag:s15] =	ssyncadd.s32 $0xFFFFC000  }
0x68: {  	_ =	swait.ge [sflag:s21], $0x4000  }
.Ltmp1:
0x69: {  	[sflag:s21] =	ssyncset.done $0x0;
	(pc) =	sbr.rel @p0 .LBB2_4-.Ltmp1, $4  }
0x6a: {  	s23 =	sadd.s32 $0x15400, s23;
	[sflag:s21] =	ssyncadd.s32 $0xFFFFC000  }
0x6b: {  	[spmem:s2] =	stream.indirect.scatter.add.f32 [tilespmem:s20], [sflag:$0x2], $0x80, s23, s19, $0xb8;
	[tilespmem:$0x1E800] =	vst v63  }
0x6c: {  	_ =	swait.ge [sflag:s15], $0x4000  }
0x6d: {  	s24 =	smov.u32 s28;
	s23 =	sshra.s32 s26, $0x2;
	[sflag:s15] =	ssyncset.done $0x0  }
0x6e: {  	s24 =	sadd.s32 $0x14000, s23;
	[sflag:s15] =	ssyncadd.s32 $0xFFFFC000  }
0x6f: {  	[tilespmem:s20], [sflag:$0x1] =	stream.indirect.gather [hbm4b:s4+s19], $0x80, s24, s19, $0xb8;
	[tilespmem:$0x1E800] =	vst v63  }
0x70: {  	_ = 	snop  }
0x71: {  	[spmem:s2] =	stream.indirect.scatter.add.f32 [tilespmem:s16], [sflag:$0x2], $0x80, s24, s19, $0xb8;
	[tilespmem:$0x1E800] =	vst v63  }
0x72: {  	_ =	swait.ge [sflag:s15], $0x4000  }
0x73: {  	[sflag:s15] =	ssyncset.done $0x0  }
0x74: {  	[sflag:s15] =	ssyncadd.s32 $0xFFFFC000  }
0x75: {  	_ =	swait.ge [sflag:s21], $0x4000  }
0x76: {  	[sflag:s21] =	ssyncset.done $0x0  }
0x77: {  	s31 =	sadd.s32 $0x15400, s23;
	[sflag:s21] =	ssyncadd.s32 $0xFFFFC000  }
0x78: {  	[spmem:s2] =	stream.indirect.scatter.add.f32 [tilespmem:s20], [sflag:$0x2], $0x80, s31, s19, $0xb8;
	[tilespmem:$0x1E800] =	vst v63  }
0x79: {  	_ =	swait.ge [sflag:s15], $0x4000  }
0x7a: {  	s22 =	sadd.s32 $0x1, s22;
	[sflag:s15] =	ssyncset.done $0x0  }
0x7b: {  	p0 =	sne.s32 s22, s13;
	[sflag:s15] =	ssyncadd.s32 $0xFFFFC000  }
.Ltmp2:
0x7c: {  	[bflag:$0x0] =	sbarrier.arrive $0xFFFF;
	(pc) =	sbr.rel @p0 .LBB2_1-.Ltmp2, $4  }
0x7d: {  	[hbm:s12], [sflag:s7] =	dma.local [spmem:s14], $0x2800  }
0x7e: {  	_ =	swait.ge [sflag:s15], $0x2800  }
0x7f: {  	[sflag:s15] =	ssyncset.done $0x0  }
0x80: {  	[sflag:s15] =	ssyncadd.s32 $0xFFFFD800  }
0x81: {  	_ =	sfence.sel $0x180000  }
0x82: {  	[bflag:$0x0] =	sbarrier.arrive $0xFFFF  }
0x83: {  	p0 =	sne.s32 s1, $0x0;
	_ =	strace $0x90000047  }
0x84: {  	s0 =	sadd.s32 @!p0 $0x100000, s0;
	[bflag:$0x2] =	sbarrier.arrive $0xFFFF  }
0x85: {  	[sflag:s0] =	ssyncadd.tile.s32 @!p0 $0x1;
	_ =	shalt  }
.Lfunc_end2:
_tile_overlayer_lowered:
.L_overlay_start_2:
0x86: {  	(tag) =	ssettag $0x2  }
0x87: {  	s0 =	rddreg [dreg:$0x0];
	s2 =	stileid.u32  }
0x88: {  	s1 =	rddreg [dreg:$0x1];
	p0 =	sne.s32 s2, $0x0  }
0x89: {  	s3 =	rddreg [dreg:$0x2];
	[bflag:$0x3] =	sbarrier.arrive $0xFFFF;
	s2 =	simm.s32 @!p0 $0x1C02  }
0x8a: {  	[timem:s3], [sflag:s2] =	dma.local @!p0 [hbm:s0], s1  }
0x8b: {  	s0 =	simm.s32 @!p0 $0x2  }
0x8c: {  	_ =	swait.ge @!p0 [sflag:s0], s1  }
0x8d: {  	s1 =	ssub.s32 @!p0 $0x0, s1;
	[sflag:s0] =	ssyncset.done @!p0 $0x0  }
0x8e: {  	[sflag:s0] =	ssyncadd.s32 @!p0 s1  }
0x8f: {  	[bflag:$0x3] =	sbarrier.arrive $0xFFFF  }
0x90: {  	_ =	shalt  }

</sc_bundles>
